<compile_context>
chip_gen: v7x
topology: tpu7x:2x2x1
jax: 0.10.2.dev20260603
libtpu: 0.0.44.dev20260713+nightly
codegen_flags: <defaults>
</compile_context>

<pallas_src>
import math
import functools

import jax
import jax.numpy as jnp
from jax import lax
from jax.experimental import pallas as pl
from jax.experimental.pallas import tpu as pltpu
from jax.experimental.pallas import tpu_sc as plsc

IN_DIM = 258
OUT_DIM = 2048
SEQ_LEN = 1000

BM = 1024
CH = 16


@functools.partial(jax.jit, static_argnums=(2,))
def _sc_lookup(emb, idx, m):
    nb = m // BM
    info = plsc.get_sparse_core_info()
    nw = info.num_cores * info.num_subcores
    bpw = nb // nw
    vmax = emb.shape[0] - 1
    n_chunks = BM // CH
    mesh = plsc.VectorSubcoreMesh(
        core_axis_name="c", subcore_axis_name="s",
        num_cores=info.num_cores, num_subcores=info.num_subcores
    )

    @functools.partial(
        pl.kernel,
        mesh=mesh,
        out_type=[
            jax.ShapeDtypeStruct((nb, 16), jnp.int32),
            jax.ShapeDtypeStruct((nb, 1, OUT_DIM), jnp.float32),
            jax.ShapeDtypeStruct((m, OUT_DIM), jnp.float32),
        ],
        compiler_params=pltpu.CompilerParams(needs_layout_passes=False),
        scratch_types=[
            pltpu.VMEM((BM,), jnp.int32),
            pltpu.VMEM((16,), jnp.int32),
            pltpu.VMEM((1, 16), jnp.int32),
            pltpu.VMEM((1, OUT_DIM), jnp.float32),
            pltpu.VMEM((2, CH, OUT_DIM), jnp.float32),
            pltpu.SemaphoreType.DMA,
            pltpu.SemaphoreType.DMA,
        ],
    )
    def k(emb_hbm, idx_hbm, flags_hbm, brow_hbm, ovf_hbm,
          idx_v, red_v, flag_v, row_v, rows_v, sem_g, sem_s):
        wid = lax.axis_index("s") * info.num_cores + lax.axis_index("c")

        for j in range(bpw):
            blk = wid * bpw + j
            base = blk * BM
            pltpu.sync_copy(idx_hbm.at[pl.ds(base, BM)], idx_v)

            def mm_body(c, carry):
                mn, mx = carry
                v = idx_v[pl.ds(c * 16, 16)]
                v = jnp.clip(v, 0, vmax)
                idx_v[pl.ds(c * 16, 16)] = v
                return jnp.minimum(mn, v), jnp.maximum(mx, v)

            init = (jnp.full((16,), vmax, jnp.int32),
                    jnp.zeros((16,), jnp.int32))
            mn, mx = lax.fori_loop(0, BM // 16, mm_body, init)

            lanes = lax.iota(jnp.int32, 16)
            for kk in (1, 2, 4, 8):
                rot = jnp.bitwise_and(lanes + kk, 15)
                red_v[...] = mn
                mn = jnp.minimum(mn, plsc.load_gather(red_v, [rot]))
                red_v[...] = mx
                mx = jnp.maximum(mx, plsc.load_gather(red_v, [rot]))
            mn_s = mn[0]
            mx_s = mx[0]
            uniform = (mn_s == mx_s).astype(jnp.int32)

            flag_v[0, :] = (mn == mx).astype(jnp.int32)
            pltpu.sync_copy(flag_v, flags_hbm.at[pl.ds(blk, 1)])

            @pl.when(uniform == 1)
            def _():
                pltpu.sync_copy(emb_hbm.at[pl.ds(mn_s, 1)], row_v)
                pltpu.sync_copy(row_v, brow_hbm.at[blk])

            @pl.when(uniform == 0)
            def _():
                def gather(c):
                    return pltpu.make_async_copy(
                        emb_hbm.at[idx_v.at[pl.ds(c * CH, CH)]],
                        rows_v.at[c % 2],
                        sem_g,
                    )

                def scatter(c):
                    return pltpu.make_async_copy(
                        rows_v.at[c % 2],
                        ovf_hbm.at[pl.ds(base + c * CH, CH)],
                        sem_s,
                    )

                gather(0).start()

                def body(c, carry):
                    @pl.when(c >= 1)
                    def _():
                        scatter(c - 1).wait()

                    @pl.when(c + 1 < n_chunks)
                    def _():
                        gather(c + 1).start()

                    gather(c).wait()
                    scatter(c).start()
                    return carry

                lax.fori_loop(0, n_chunks, body, 0)
                scatter(n_chunks - 1).wait()

    return k(emb, idx)


def _mm_body(flags_ref, x_ref, wt_ref, b_ref, brow_ref, ovf_ref, o_ref,
             ovf_v, sem):
    i = pl.program_id(0)
    flag = flags_ref[i, 0]

    @pl.when(flag == 0)
    def _():
        pltpu.make_async_copy(
            ovf_ref.at[pl.ds(i * BM, BM)], ovf_v, sem
        ).start()

    xb = x_ref[...].astype(jnp.bfloat16)
    acc = jnp.dot(xb, wt_ref[...], preferred_element_type=jnp.float32)
    acc = acc + b_ref[...]

    @pl.when(flag == 1)
    def _():
        o_ref[...] = acc + brow_ref[0]

    @pl.when(flag == 0)
    def _():
        pltpu.make_async_copy(
            ovf_ref.at[pl.ds(i * BM, BM)], ovf_v, sem
        ).wait()
        o_ref[...] = acc + ovf_v[...]


def _matmul_add(x_flat, wt, b_aug, flags, block_rows, overflow):
    m = x_flat.shape[0]
    grid = (m // BM,)
    return pl.pallas_call(
        _mm_body,
        grid_spec=pltpu.PrefetchScalarGridSpec(
            num_scalar_prefetch=1,
            grid=grid,
            in_specs=[
                pl.BlockSpec((BM, IN_DIM), lambda i, f: (i, 0)),
                pl.BlockSpec((IN_DIM, OUT_DIM), lambda i, f: (0, 0)),
                pl.BlockSpec((1, OUT_DIM), lambda i, f: (0, 0)),
                pl.BlockSpec((1, 1, OUT_DIM), lambda i, f: (i, 0, 0)),
                pl.BlockSpec(memory_space=pl.ANY),
            ],
            out_specs=pl.BlockSpec((BM, OUT_DIM), lambda i, f: (i, 0)),
            scratch_shapes=[
                pltpu.VMEM((BM, OUT_DIM), jnp.float32),
                pltpu.SemaphoreType.DMA,
            ],
        ),
        out_shape=jax.ShapeDtypeStruct((m, OUT_DIM), jnp.float32),
    )(flags, x_flat, wt, b_aug, block_rows, overflow)


def kernel(x, W_epoch, emb, W_conf, b_conf):
    B, S, _ = x.shape
    m = B * S
    x_flat = x.reshape(m, IN_DIM)

    scale = math.sqrt(12.0) / float(SEQ_LEN)
    w_ep = W_epoch[:, 0]
    wt = jnp.concatenate(
        [
            (w_ep * scale)[None, :],
            jnp.zeros((1, OUT_DIM), jnp.float32),
            W_conf.T,
        ],
        axis=0,
    ).astype(jnp.bfloat16)
    b_aug = (b_conf - 0.5 * math.sqrt(12.0) * w_ep)[None, :]

    idx = x_flat[:, 1].astype(jnp.int32)
    flags, block_rows, overflow = _sc_lookup(emb, idx, m)

    out = _matmul_add(x_flat, wt, b_aug, flags, block_rows, overflow)
    return out.reshape(B, S, OUT_DIM)

# --- scband reference (transcript-rebuilt; emitter-appended) ---
"""Pipeline reference for scband-multi-curves-encoder-6708738916677 (READ-ONLY COPY).

The authoritative reference and input builder live on the scoring server;
editing this copy changes nothing except your own understanding.
"""

import jax, jax.numpy as jnp
import numpy as np
import math

IN_DIM = 258
OUT_DIM = 2048
SEQ_LEN = 1000


def setup_inputs(seed: int = 0) -> dict:
    key = jax.random.key(seed)
    k1, k2, k3, k4, k5 = jax.random.split(key, 5)
    x = jax.random.uniform(k1, (16, 2048, IN_DIM), dtype=jnp.float32)
    # epoch_enc: Linear(1, OUT_DIM, bias=False); torch default U(-1/sqrt(1), 1/sqrt(1))
    W_epoch = jax.random.uniform(k2, (OUT_DIM, 1), jnp.float32, -1.0, 1.0)
    # idcurve_enc: Embedding(2*SEQ_LEN+1, OUT_DIM); torch default N(0,1)
    emb = jax.random.normal(k3, (2 * SEQ_LEN + 1, OUT_DIM), jnp.float32)
    # configuration_enc: Linear(IN_DIM-2, OUT_DIM) with bias; torch default U(-b, b), b=1/sqrt(fan_in)
    b = 1.0 / math.sqrt(IN_DIM - 2)
    W_conf = jax.random.uniform(k4, (OUT_DIM, IN_DIM - 2), jnp.float32, -b, b)
    b_conf = jax.random.uniform(k5, (OUT_DIM,), jnp.float32, -b, b)
    return {"x": x, "W_epoch": W_epoch, "emb": emb, "W_conf": W_conf, "b_conf": b_conf}


def reference(x, W_epoch, emb, W_conf, b_conf):
    # normalizer: Normalize(0.0, 1000) then Normalize(0.5, sqrt(1/12))
    epoch = x[..., :1]
    epoch = (epoch - 0.0) / float(SEQ_LEN)
    epoch = (epoch - 0.5) / math.sqrt(1.0 / 12.0)
    epoch_out = epoch @ W_epoch.T  # [B, S, OUT_DIM]

    # idcurve_enc(x[..., 1:2].int()).squeeze(2)
    idx = x[..., 1:2].astype(jnp.int32)  # [B, S, 1]
    id_out = jnp.take(emb, idx, axis=0)  # [B, S, 1, OUT_DIM]
    id_out = jnp.squeeze(id_out, axis=2)  # [B, S, OUT_DIM]

    # variable-num-features wrapper around encoders.Linear: scale by
    # (num_features / x.shape[-1]) == 1 here (no padding needed), nan_to_num, then linear
    conf = x[..., 2:]
    conf = conf * (float(IN_DIM - 2) / conf.shape[-1])
    conf = jnp.nan_to_num(conf, nan=0.0)
    conf_out = conf @ W_conf.T + b_conf

    return epoch_out + id_out + conf_out

if __name__ == "__main__":
    import jax
    _d = setup_inputs()
    print(jax.jit(kernel)(*tuple(_d.values())))

</pallas_src>

<mosaic_0001>
#map = affine_map<(d0, d1) -> (0, 0)>
#map1 = affine_map<(d0, d1) -> (0)>
#map2 = affine_map<(d0, d1) -> (0, 0, 0)>
module attributes {stable_mosaic.version = 14 : i64} {
  func.func @k(%arg0: i32, %arg1: i32, %arg2: memref<2001x2048xf32, #tpu.memory_space<hbm>>, %arg3: memref<32768xi32, #tpu.memory_space<hbm>>, %arg4: memref<32x16xi32, #tpu.memory_space<hbm>>, %arg5: memref<32x1x2048xf32, #tpu.memory_space<hbm>>, %arg6: memref<32768x2048xf32, #tpu.memory_space<hbm>>, %arg7: memref<1024xi32, #tpu.memory_space<vmem>>, %arg8: memref<16xi32, #tpu.memory_space<vmem>>, %arg9: memref<1x16xi32, #tpu.memory_space<vmem>>, %arg10: memref<1x2048xf32, #tpu.memory_space<vmem>>, %arg11: memref<2x16x2048xf32, #tpu.memory_space<vmem>>, %arg12: memref<!tpu.dma_semaphore, #tpu.memory_space<semaphore_mem>>, %arg13: memref<!tpu.dma_semaphore, #tpu.memory_space<semaphore_mem>>) attributes {dimension_semantics = [#tpu.dimension_semantics<core_parallel>, #tpu.dimension_semantics<subcore_parallel>], iteration_bounds = array<i64: 2, 16>, scalar_prefetch = 0 : i64, scratch_operands = 7 : i64, tpu.core_type = #tpu.core_type<sc_vector_subcore>, window_params = [{transform_indices = #map}, {transform_indices = #map1}, {transform_indices = #map}, {transform_indices = #map2}, {transform_indices = #map}]} {
    %mul3A = arith.constant 2 : i32
    %mul3A_0 = arith.muli %arg1, %mul3A : i32
    %add3A = arith.addi %mul3A_0, %arg0 : i32
    %mul3A_1 = arith.constant 1 : i32
    %mul3A_2 = arith.muli %add3A, %mul3A_1 : i32
    %add3A_3 = arith.constant 0 : i32
    %add3A_4 = arith.addi %mul3A_2, %add3A_3 : i32
    %mul3A_5 = arith.constant 1024 : i32
    %mul3A_6 = arith.muli %add3A_4, %mul3A_5 : i32
    "tpu.region"() ({
      %run_scoped3A = tpu.sem_alloc : memref<!tpu.dma_semaphore, #tpu.memory_space<semaphore_mem>>
      %dma_start3A = tpu.memref_slice %arg3[%mul3A_6] : memref<32768xi32, #tpu.memory_space<hbm>> -> memref<1024xi32, #tpu.memory_space<hbm>>
      %dma_start3A_83 = tpu.memref_slice %arg3[%mul3A_6] : memref<32768xi32, #tpu.memory_space<hbm>> -> memref<1024xi32, #tpu.memory_space<hbm>>
      tpu.enqueue_dma source(%dma_start3A_83 : memref<1024xi32, #tpu.memory_space<hbm>>) target(%arg7 : memref<1024xi32, #tpu.memory_space<vmem>>) target_semaphore(%run_scoped3A : memref<!tpu.dma_semaphore, #tpu.memory_space<semaphore_mem>>)
      %dma_wait3A = tpu.memref_slice %arg3[%mul3A_6] : memref<32768xi32, #tpu.memory_space<hbm>> -> memref<1024xi32, #tpu.memory_space<hbm>>
      %dma_wait3A_84 = tpu.memref_slice %arg3[%mul3A_6] : memref<32768xi32, #tpu.memory_space<hbm>> -> memref<1024xi32, #tpu.memory_space<hbm>>
      tpu.wait_dma2 semaphore(%run_scoped3A : memref<!tpu.dma_semaphore, #tpu.memory_space<semaphore_mem>>) src(%dma_wait3A_84 : memref<1024xi32, #tpu.memory_space<hbm>>) dst(%arg7 : memref<1024xi32, #tpu.memory_space<vmem>>)
      tpu.yield
    }) : () -> ()
    %broadcast_in_dim3A = arith.constant 2000 : i32
    %broadcast_in_dim3A_7 = vector.broadcast %broadcast_in_dim3A : i32 to vector<16xi32>
    %broadcast_in_dim3A_8 = arith.constant 0 : i32
    %broadcast_in_dim3A_9 = vector.broadcast %broadcast_in_dim3A_8 : i32 to vector<16xi32>
    %scan3A = arith.constant 0 : i32
    %scan3A_10 = arith.constant 64 : i32
    %scan3A_11 = arith.addi %scan3A, %scan3A_10 : i32
    %scan3A_12 = arith.constant 1 : i32
    %scan3A_13:2 = scf.for %scan3A_83 = %scan3A to %scan3A_11 step %scan3A_12 iter_args(%scan3A_84 = %broadcast_in_dim3A_7, %scan3A_85 = %broadcast_in_dim3A_9) -> (vector<16xi32>, vector<16xi32>)  : i32 {
      %mul3A_86 = arith.constant 16 : i32
      %mul3A_87 = arith.muli %scan3A_83, %mul3A_86 : i32
      %get3A = arith.index_cast %mul3A_87 : i32 to index
      %get3A_88 = tpu.vector_load %arg7[%get3A] {strides = array<i32>} : memref<1024xi32, #tpu.memory_space<vmem>>, vector<16xi32>,
      %jit3A = arith.constant 0 : i32
      %jit3A_89 = arith.constant 2000 : i32
      %max3A_90 = vector.broadcast %jit3A : i32 to vector<16xi32>
      %max3A_91 = arith.maxsi %max3A_90, %get3A_88 : vector<16xi32>
      %min3A_92 = vector.broadcast %jit3A_89 : i32 to vector<16xi32>
      %min3A_93 = arith.minsi %min3A_92, %max3A_91 : vector<16xi32>
      %mul3A_94 = arith.constant 16 : i32
      %mul3A_95 = arith.muli %scan3A_83, %mul3A_94 : i32
      %swap3A_96 = arith.index_cast %mul3A_95 : i32 to index
      %swap3A_97 = tpu.vector_load %arg7[%swap3A_96] {strides = array<i32>} : memref<1024xi32, #tpu.memory_space<vmem>>, vector<16xi32>,
      tpu.vector_store %arg7[%swap3A_96], %min3A_93 {strides = array<i32>} : memref<1024xi32, #tpu.memory_space<vmem>>, vector<16xi32>,
      %min3A_98 = arith.minsi %scan3A_84, %min3A_93 : vector<16xi32>
      %max3A_99 = arith.maxsi %scan3A_85, %min3A_93 : vector<16xi32>
      scf.yield %min3A_98, %max3A_99 : vector<16xi32>, vector<16xi32>
    }
    %scan3A_14 = arith.constant 64 : i32
    %iota3A = tpu.iota {dimensions = array<i32: 0>} : vector<16xi32>
    %add3A_15 = arith.constant 1 : i32
    %add3A_16 = vector.broadcast %add3A_15 : i32 to vector<16xi32>
    %add3A_17 = arith.addi %iota3A, %add3A_16 : vector<16xi32>
    %and3A = arith.constant 15 : i32
    %and3A_18 = vector.broadcast %and3A : i32 to vector<16xi32>
    %and3A_19 = arith.andi %add3A_17, %and3A_18 : vector<16xi32>
    %swap3A = arith.constant 0 : index
    %swap3A_20 = tpu.vector_load %arg8[%swap3A] {strides = array<i32>} : memref<16xi32, #tpu.memory_space<vmem>>, vector<16xi32>,
    tpu.vector_store %arg8[%swap3A], %scan3A_13#0 {strides = array<i32>} : memref<16xi32, #tpu.memory_space<vmem>>, vector<16xi32>,
    %gather3A = tpu.vector_load_idx %arg8[%and3A_19] : memref<16xi32, #tpu.memory_space<vmem>>[vector<16xi32>], vector<16xi32>,
    %min3A = arith.minsi %scan3A_13#0, %gather3A : vector<16xi32>
    %swap3A_21 = arith.constant 0 : index
    %swap3A_22 = tpu.vector_load %arg8[%swap3A_21] {strides = array<i32>} : memref<16xi32, #tpu.memory_space<vmem>>, vector<16xi32>,
    tpu.vector_store %arg8[%swap3A_21], %scan3A_13#1 {strides = array<i32>} : memref<16xi32, #tpu.memory_space<vmem>>, vector<16xi32>,
    %gather3A_23 = tpu.vector_load_idx %arg8[%and3A_19] : memref<16xi32, #tpu.memory_space<vmem>>[vector<16xi32>], vector<16xi32>,
    %max3A = arith.maxsi %scan3A_13#1, %gather3A_23 : vector<16xi32>
    %add3A_24 = arith.constant 2 : i32
    %add3A_25 = vector.broadcast %add3A_24 : i32 to vector<16xi32>
    %add3A_26 = arith.addi %iota3A, %add3A_25 : vector<16xi32>
    %and3A_27 = arith.constant 15 : i32
    %and3A_28 = vector.broadcast %and3A_27 : i32 to vector<16xi32>
    %and3A_29 = arith.andi %add3A_26, %and3A_28 : vector<16xi32>
    %swap3A_30 = arith.constant 0 : index
    %swap3A_31 = tpu.vector_load %arg8[%swap3A_30] {strides = array<i32>} : memref<16xi32, #tpu.memory_space<vmem>>, vector<16xi32>,
    tpu.vector_store %arg8[%swap3A_30], %min3A {strides = array<i32>} : memref<16xi32, #tpu.memory_space<vmem>>, vector<16xi32>,
    %gather3A_32 = tpu.vector_load_idx %arg8[%and3A_29] : memref<16xi32, #tpu.memory_space<vmem>>[vector<16xi32>], vector<16xi32>,
    %min3A_33 = arith.minsi %min3A, %gather3A_32 : vector<16xi32>
    %swap3A_34 = arith.constant 0 : index
    %swap3A_35 = tpu.vector_load %arg8[%swap3A_34] {strides = array<i32>} : memref<16xi32, #tpu.memory_space<vmem>>, vector<16xi32>,
    tpu.vector_store %arg8[%swap3A_34], %max3A {strides = array<i32>} : memref<16xi32, #tpu.memory_space<vmem>>, vector<16xi32>,
    %gather3A_36 = tpu.vector_load_idx %arg8[%and3A_29] : memref<16xi32, #tpu.memory_space<vmem>>[vector<16xi32>], vector<16xi32>,
    %max3A_37 = arith.maxsi %max3A, %gather3A_36 : vector<16xi32>
    %add3A_38 = arith.constant 4 : i32
    %add3A_39 = vector.broadcast %add3A_38 : i32 to vector<16xi32>
    %add3A_40 = arith.addi %iota3A, %add3A_39 : vector<16xi32>
    %and3A_41 = arith.constant 15 : i32
    %and3A_42 = vector.broadcast %and3A_41 : i32 to vector<16xi32>
    %and3A_43 = arith.andi %add3A_40, %and3A_42 : vector<16xi32>
    %swap3A_44 = arith.constant 0 : index
    %swap3A_45 = tpu.vector_load %arg8[%swap3A_44] {strides = array<i32>} : memref<16xi32, #tpu.memory_space<vmem>>, vector<16xi32>,
    tpu.vector_store %arg8[%swap3A_44], %min3A_33 {strides = array<i32>} : memref<16xi32, #tpu.memory_space<vmem>>, vector<16xi32>,
    %gather3A_46 = tpu.vector_load_idx %arg8[%and3A_43] : memref<16xi32, #tpu.memory_space<vmem>>[vector<16xi32>], vector<16xi32>,
    %min3A_47 = arith.minsi %min3A_33, %gather3A_46 : vector<16xi32>
    %swap3A_48 = arith.constant 0 : index
    %swap3A_49 = tpu.vector_load %arg8[%swap3A_48] {strides = array<i32>} : memref<16xi32, #tpu.memory_space<vmem>>, vector<16xi32>,
    tpu.vector_store %arg8[%swap3A_48], %max3A_37 {strides = array<i32>} : memref<16xi32, #tpu.memory_space<vmem>>, vector<16xi32>,
    %gather3A_50 = tpu.vector_load_idx %arg8[%and3A_43] : memref<16xi32, #tpu.memory_space<vmem>>[vector<16xi32>], vector<16xi32>,
    %max3A_51 = arith.maxsi %max3A_37, %gather3A_50 : vector<16xi32>
    %add3A_52 = arith.constant 8 : i32
    %add3A_53 = vector.broadcast %add3A_52 : i32 to vector<16xi32>
    %add3A_54 = arith.addi %iota3A, %add3A_53 : vector<16xi32>
    %and3A_55 = arith.constant 15 : i32
    %and3A_56 = vector.broadcast %and3A_55 : i32 to vector<16xi32>
    %and3A_57 = arith.andi %add3A_54, %and3A_56 : vector<16xi32>
    %swap3A_58 = arith.constant 0 : index
    %swap3A_59 = tpu.vector_load %arg8[%swap3A_58] {strides = array<i32>} : memref<16xi32, #tpu.memory_space<vmem>>, vector<16xi32>,
    tpu.vector_store %arg8[%swap3A_58], %min3A_47 {strides = array<i32>} : memref<16xi32, #tpu.memory_space<vmem>>, vector<16xi32>,
    %gather3A_60 = tpu.vector_load_idx %arg8[%and3A_57] : memref<16xi32, #tpu.memory_space<vmem>>[vector<16xi32>], vector<16xi32>,
    %min3A_61 = arith.minsi %min3A_47, %gather3A_60 : vector<16xi32>
    %swap3A_62 = arith.constant 0 : index
    %swap3A_63 = tpu.vector_load %arg8[%swap3A_62] {strides = array<i32>} : memref<16xi32, #tpu.memory_space<vmem>>, vector<16xi32>,
    tpu.vector_store %arg8[%swap3A_62], %max3A_51 {strides = array<i32>} : memref<16xi32, #tpu.memory_space<vmem>>, vector<16xi32>,
    %gather3A_64 = tpu.vector_load_idx %arg8[%and3A_57] : memref<16xi32, #tpu.memory_space<vmem>>[vector<16xi32>], vector<16xi32>,
    %max3A_65 = arith.maxsi %max3A_51, %gather3A_64 : vector<16xi32>
    %slice3A = vector.extract_strided_slice %min3A_61 {offsets = [0], sizes = [1], strides = [1]} : vector<16xi32> to vector<1xi32>
    %squeeze3A = vector.extract %slice3A[0] : i32 from vector<1xi32>
    %slice3A_66 = vector.extract_strided_slice %max3A_65 {offsets = [0], sizes = [1], strides = [1]} : vector<16xi32> to vector<1xi32>
    %squeeze3A_67 = vector.extract %slice3A_66[0] : i32 from vector<1xi32>
    %eq3A = arith.cmpi eq, %squeeze3A, %squeeze3A_67 : i32
    %convert_element_type3A = arith.extui %eq3A : i1 to i32
    %eq3A_68 = arith.cmpi eq, %min3A_61, %max3A_65 : vector<16xi32>
    %convert_element_type3A_69 = arith.extui %eq3A_68 : vector<16xi1> to vector<16xi32>
    %swap3A_70 = arith.constant 0 : i32
    %swap3A_71 = arith.index_cast %swap3A_70 : i32 to index
    %swap3A_72 = arith.constant 0 : index
    %swap3A_73 = tpu.vector_load %arg9[%swap3A_71, %swap3A_72] {strides = array<i32>} : memref<1x16xi32, #tpu.memory_space<vmem>>, vector<16xi32>,
    tpu.vector_store %arg9[%swap3A_71, %swap3A_72], %convert_element_type3A_69 {strides = array<i32>} : memref<1x16xi32, #tpu.memory_space<vmem>>, vector<16xi32>,
    "tpu.region"() ({
      %run_scoped3A = tpu.sem_alloc : memref<!tpu.dma_semaphore, #tpu.memory_space<semaphore_mem>>
      %dma_start3A = arith.constant 0 : i32
      %dma_start3A_83 = tpu.memref_slice %arg4[%add3A_4, %dma_start3A] : memref<32x16xi32, #tpu.memory_space<hbm>> -> memref<1x16xi32, #tpu.memory_space<hbm>>
      %dma_start3A_84 = arith.constant 0 : i32
      %dma_start3A_85 = tpu.memref_slice %arg4[%add3A_4, %dma_start3A_84] : memref<32x16xi32, #tpu.memory_space<hbm>> -> memref<1x16xi32, #tpu.memory_space<hbm>>
      tpu.enqueue_dma source(%arg9 : memref<1x16xi32, #tpu.memory_space<vmem>>) target(%dma_start3A_85 : memref<1x16xi32, #tpu.memory_space<hbm>>) target_semaphore(%run_scoped3A : memref<!tpu.dma_semaphore, #tpu.memory_space<semaphore_mem>>)
      %dma_wait3A = arith.constant 0 : i32
      %dma_wait3A_86 = tpu.memref_slice %arg4[%add3A_4, %dma_wait3A] : memref<32x16xi32, #tpu.memory_space<hbm>> -> memref<1x16xi32, #tpu.memory_space<hbm>>
      %dma_wait3A_87 = arith.constant 0 : i32
      %dma_wait3A_88 = tpu.memref_slice %arg4[%add3A_4, %dma_wait3A_87] : memref<32x16xi32, #tpu.memory_space<hbm>> -> memref<1x16xi32, #tpu.memory_space<hbm>>
      tpu.wait_dma2 semaphore(%run_scoped3A : memref<!tpu.dma_semaphore, #tpu.memory_space<semaphore_mem>>) src(%arg9 : memref<1x16xi32, #tpu.memory_space<vmem>>) dst(%dma_wait3A_88 : memref<1x16xi32, #tpu.memory_space<hbm>>)
      tpu.yield
    }) : () -> ()
    %eq3A_74 = arith.constant 1 : i32
    %eq3A_75 = arith.cmpi eq, %convert_element_type3A, %eq3A_74 : i32
    %convert_element_type3A_76 = arith.extui %eq3A_75 : i1 to i32
    %cond3A = arith.constant 0 : i32
    %cond3A_77 = arith.cmpi ne, %convert_element_type3A_76, %cond3A : i32
    scf.if %cond3A_77 {
      "tpu.region"() ({
        %run_scoped3A = tpu.sem_alloc : memref<!tpu.dma_semaphore, #tpu.memory_space<semaphore_mem>>
        %dma_start3A = arith.constant 0 : i32
        %dma_start3A_83 = tpu.memref_slice %arg2[%squeeze3A, %dma_start3A] : memref<2001x2048xf32, #tpu.memory_space<hbm>> -> memref<1x2048xf32, #tpu.memory_space<hbm>>
        %dma_start3A_84 = arith.constant 0 : i32
        %dma_start3A_85 = tpu.memref_slice %arg2[%squeeze3A, %dma_start3A_84] : memref<2001x2048xf32, #tpu.memory_space<hbm>> -> memref<1x2048xf32, #tpu.memory_space<hbm>>
        tpu.enqueue_dma source(%dma_start3A_85 : memref<1x2048xf32, #tpu.memory_space<hbm>>) target(%arg10 : memref<1x2048xf32, #tpu.memory_space<vmem>>) target_semaphore(%run_scoped3A : memref<!tpu.dma_semaphore, #tpu.memory_space<semaphore_mem>>)
        %dma_wait3A = arith.constant 0 : i32
        %dma_wait3A_86 = tpu.memref_slice %arg2[%squeeze3A, %dma_wait3A] : memref<2001x2048xf32, #tpu.memory_space<hbm>> -> memref<1x2048xf32, #tpu.memory_space<hbm>>
        %dma_wait3A_87 = arith.constant 0 : i32
        %dma_wait3A_88 = tpu.memref_slice %arg2[%squeeze3A, %dma_wait3A_87] : memref<2001x2048xf32, #tpu.memory_space<hbm>> -> memref<1x2048xf32, #tpu.memory_space<hbm>>
        tpu.wait_dma2 semaphore(%run_scoped3A : memref<!tpu.dma_semaphore, #tpu.memory_space<semaphore_mem>>) src(%dma_wait3A_88 : memref<1x2048xf32, #tpu.memory_space<hbm>>) dst(%arg10 : memref<1x2048xf32, #tpu.memory_space<vmem>>)
        tpu.yield
      }) : () -> ()
      "tpu.region"() ({
        %run_scoped3A = tpu.sem_alloc : memref<!tpu.dma_semaphore, #tpu.memory_space<semaphore_mem>>
        %dma_start3A = arith.constant 0 : i32
        %dma_start3A_83 = arith.constant 0 : i32
        %dma_start3A_84 = tpu.memref_slice %arg5[%add3A_4, %dma_start3A, %dma_start3A_83] : memref<32x1x2048xf32, #tpu.memory_space<hbm>> -> memref<1x1x2048xf32, #tpu.memory_space<hbm>>
        %dma_start3A_85 = tpu.memref_squeeze %dma_start3A_84 : memref<1x1x2048xf32, #tpu.memory_space<hbm>> -> memref<1x2048xf32, #tpu.memory_space<hbm>>
        %dma_start3A_86 = arith.constant 0 : i32
        %dma_start3A_87 = arith.constant 0 : i32
        %dma_start3A_88 = tpu.memref_slice %arg5[%add3A_4, %dma_start3A_86, %dma_start3A_87] : memref<32x1x2048xf32, #tpu.memory_space<hbm>> -> memref<1x1x2048xf32, #tpu.memory_space<hbm>>
        %dma_start3A_89 = tpu.memref_squeeze %dma_start3A_88 : memref<1x1x2048xf32, #tpu.memory_space<hbm>> -> memref<1x2048xf32, #tpu.memory_space<hbm>>
        tpu.enqueue_dma source(%arg10 : memref<1x2048xf32, #tpu.memory_space<vmem>>) target(%dma_start3A_89 : memref<1x2048xf32, #tpu.memory_space<hbm>>) target_semaphore(%run_scoped3A : memref<!tpu.dma_semaphore, #tpu.memory_space<semaphore_mem>>)
        %dma_wait3A = arith.constant 0 : i32
        %dma_wait3A_90 = arith.constant 0 : i32
        %dma_wait3A_91 = tpu.memref_slice %arg5[%add3A_4, %dma_wait3A, %dma_wait3A_90] : memref<32x1x2048xf32, #tpu.memory_space<hbm>> -> memref<1x1x2048xf32, #tpu.memory_space<hbm>>
        %dma_wait3A_92 = tpu.memref_squeeze %dma_wait3A_91 : memref<1x1x2048xf32, #tpu.memory_space<hbm>> -> memref<1x2048xf32, #tpu.memory_space<hbm>>
        %dma_wait3A_93 = arith.constant 0 : i32
        %dma_wait3A_94 = arith.constant 0 : i32
        %dma_wait3A_95 = tpu.memref_slice %arg5[%add3A_4, %dma_wait3A_93, %dma_wait3A_94] : memref<32x1x2048xf32, #tpu.memory_space<hbm>> -> memref<1x1x2048xf32, #tpu.memory_space<hbm>>
        %dma_wait3A_96 = tpu.memref_squeeze %dma_wait3A_95 : memref<1x1x2048xf32, #tpu.memory_space<hbm>> -> memref<1x2048xf32, #tpu.memory_space<hbm>>
        tpu.wait_dma2 semaphore(%run_scoped3A : memref<!tpu.dma_semaphore, #tpu.memory_space<semaphore_mem>>) src(%arg10 : memref<1x2048xf32, #tpu.memory_space<vmem>>) dst(%dma_wait3A_96 : memref<1x2048xf32, #tpu.memory_space<hbm>>)
        tpu.yield
      }) : () -> ()
    } else {
    }
    %eq3A_78 = arith.constant 0 : i32
    %eq3A_79 = arith.cmpi eq, %convert_element_type3A, %eq3A_78 : i32
    %convert_element_type3A_80 = arith.extui %eq3A_79 : i1 to i32
    %cond3A_81 = arith.constant 0 : i32
    %cond3A_82 = arith.cmpi ne, %convert_element_type3A_80, %cond3A_81 : i32
    scf.if %cond3A_82 {
      %dma_start3A = arith.constant 0 : i32
      %dma_start3A_83 = arith.constant 0 : i32
      %dma_start3A_84 = arith.constant 0 : i32
      %dma_start3A_85 = tpu.memref_slice %arg11[%dma_start3A, %dma_start3A_83, %dma_start3A_84] : memref<2x16x2048xf32, #tpu.memory_space<vmem>> -> memref<1x16x2048xf32, #tpu.memory_space<vmem>>
      %dma_start3A_86 = tpu.memref_squeeze %dma_start3A_85 : memref<1x16x2048xf32, #tpu.memory_space<vmem>> -> memref<16x2048xf32, #tpu.memory_space<vmem>>
      %dma_start3A_87 = arith.constant 0 : i32
      %dma_start3A_88 = tpu.memref_slice %arg7[%dma_start3A_87] : memref<1024xi32, #tpu.memory_space<vmem>> -> memref<16xi32, #tpu.memory_space<vmem>>
      %dma_start3A_89 = arith.constant 0 : i32
      %dma_start3A_90 = arith.constant 0 : i32
      %dma_start3A_91 = tpu.memref_slice %arg2[%dma_start3A_89, %dma_start3A_90] : memref<2001x2048xf32, #tpu.memory_space<hbm>> -> memref<2001x2048xf32, #tpu.memory_space<hbm>>
      tpu.enqueue_indirect_dma source(%dma_start3A_91 : memref<2001x2048xf32, #tpu.memory_space<hbm>>) target(%dma_start3A_86 : memref<16x2048xf32, #tpu.memory_space<vmem>>) offsets(%dma_start3A_88 : memref<16xi32, #tpu.memory_space<vmem>>) semaphore(%arg12 : memref<!tpu.dma_semaphore, #tpu.memory_space<semaphore_mem>>)
      %scan3A_92 = arith.constant 0 : i32
      %scan3A_93 = arith.constant 0 : i32
      %scan3A_94 = arith.constant 64 : i32
      %scan3A_95 = arith.addi %scan3A_93, %scan3A_94 : i32
      %scan3A_96 = arith.constant 1 : i32
      scf.for %scan3A_112 = %scan3A_93 to %scan3A_95 step %scan3A_96  : i32 {
        %ge3A = arith.constant 1 : i32
        %ge3A_113 = arith.cmpi sge, %scan3A_112, %ge3A : i32
        %convert_element_type3A_114 = arith.extui %ge3A_113 : i1 to i32
        %cond3A_115 = arith.constant 0 : i32
        %cond3A_116 = arith.cmpi ne, %convert_element_type3A_114, %cond3A_115 : i32
        scf.if %cond3A_116 {
          %sub3A = arith.constant 1 : i32
          %sub3A_176 = arith.subi %scan3A_112, %sub3A : i32
          %jit3A_177 = arith.constant 2 : i32
          %eq3A_178 = arith.constant 0 : i32
          %eq3A_179 = arith.cmpi eq, %jit3A_177, %eq3A_178 : i32
          %jit3A_180 = arith.constant 1 : i32
          %select_n3A_181 = arith.select %eq3A_179, %jit3A_180, %jit3A_177 : i32
          %rem3A_182 = arith.remsi %sub3A_176, %select_n3A_181 : i32
          %ne3A_183 = arith.constant 0 : i32
          %ne3A_184 = arith.cmpi ne, %rem3A_182, %ne3A_183 : i32
          %lt3A_185 = arith.constant 0 : i32
          %lt3A_186 = arith.cmpi slt, %rem3A_182, %lt3A_185 : i32
          %lt3A_187 = arith.constant 0 : i32
          %lt3A_188 = arith.cmpi slt, %select_n3A_181, %lt3A_187 : i32
          %ne3A_189 = arith.xori %lt3A_186, %lt3A_188 : i1
          %and3A_190 = arith.andi %ne3A_189, %ne3A_184 : i1
          %add3A_191 = arith.addi %rem3A_182, %select_n3A_181 : i32
          %select_n3A_192 = arith.select %and3A_190, %add3A_191, %rem3A_182 : i32
          %mul3A_193 = arith.constant 16 : i32
          %mul3A_194 = arith.muli %sub3A_176, %mul3A_193 : i32
          %add3A_195 = arith.addi %mul3A_6, %mul3A_194 : i32
          %dma_wait3A_196 = arith.constant 0 : i32
          %dma_wait3A_197 = arith.constant 0 : i32
          %dma_wait3A_198 = tpu.memref_slice %arg11[%select_n3A_192, %dma_wait3A_196, %dma_wait3A_197] : memref<2x16x2048xf32, #tpu.memory_space<vmem>> -> memref<1x16x2048xf32, #tpu.memory_space<vmem>>
          %dma_wait3A_199 = tpu.memref_squeeze %dma_wait3A_198 : memref<1x16x2048xf32, #tpu.memory_space<vmem>> -> memref<16x2048xf32, #tpu.memory_space<vmem>>
          %dma_wait3A_200 = arith.constant 0 : i32
          %dma_wait3A_201 = tpu.memref_slice %arg6[%add3A_195, %dma_wait3A_200] : memref<32768x2048xf32, #tpu.memory_space<hbm>> -> memref<16x2048xf32, #tpu.memory_space<hbm>>
          %dma_wait3A_202 = arith.constant 0 : i32
          %dma_wait3A_203 = tpu.memref_slice %arg6[%add3A_195, %dma_wait3A_202] : memref<32768x2048xf32, #tpu.memory_space<hbm>> -> memref<16x2048xf32, #tpu.memory_space<hbm>>
          %dma_wait3A_204 = arith.constant 0 : i32
          %dma_wait3A_205 = arith.constant 0 : i32
          %dma_wait3A_206 = tpu.memref_slice %arg11[%select_n3A_192, %dma_wait3A_204, %dma_wait3A_205] : memref<2x16x2048xf32, #tpu.memory_space<vmem>> -> memref<1x16x2048xf32, #tpu.memory_space<vmem>>
          %dma_wait3A_207 = tpu.memref_squeeze %dma_wait3A_206 : memref<1x16x2048xf32, #tpu.memory_space<vmem>> -> memref<16x2048xf32, #tpu.memory_space<vmem>>
          tpu.wait_dma2 semaphore(%arg13 : memref<!tpu.dma_semaphore, #tpu.memory_space<semaphore_mem>>) src(%dma_wait3A_207 : memref<16x2048xf32, #tpu.memory_space<vmem>>) dst(%dma_wait3A_203 : memref<16x2048xf32, #tpu.memory_space<hbm>>)
        } else {
        }
        %add3A_117 = arith.constant 1 : i32
        %add3A_118 = arith.addi %scan3A_112, %add3A_117 : i32
        %lt3A = arith.constant 64 : i32
        %lt3A_119 = arith.cmpi slt, %add3A_118, %lt3A : i32
        %convert_element_type3A_120 = arith.extui %lt3A_119 : i1 to i32
        %cond3A_121 = arith.constant 0 : i32
        %cond3A_122 = arith.cmpi ne, %convert_element_type3A_120, %cond3A_121 : i32
        scf.if %cond3A_122 {
          %add3A_176 = arith.constant 1 : i32
          %add3A_177 = arith.addi %scan3A_112, %add3A_176 : i32
          %mul3A_178 = arith.constant 16 : i32
          %mul3A_179 = arith.muli %add3A_177, %mul3A_178 : i32
          %jit3A_180 = arith.constant 2 : i32
          %eq3A_181 = arith.constant 0 : i32
          %eq3A_182 = arith.cmpi eq, %jit3A_180, %eq3A_181 : i32
          %jit3A_183 = arith.constant 1 : i32
          %select_n3A_184 = arith.select %eq3A_182, %jit3A_183, %jit3A_180 : i32
          %rem3A_185 = arith.remsi %add3A_177, %select_n3A_184 : i32
          %ne3A_186 = arith.constant 0 : i32
          %ne3A_187 = arith.cmpi ne, %rem3A_185, %ne3A_186 : i32
          %lt3A_188 = arith.constant 0 : i32
          %lt3A_189 = arith.cmpi slt, %rem3A_185, %lt3A_188 : i32
          %lt3A_190 = arith.constant 0 : i32
          %lt3A_191 = arith.cmpi slt, %select_n3A_184, %lt3A_190 : i32
          %ne3A_192 = arith.xori %lt3A_189, %lt3A_191 : i1
          %and3A_193 = arith.andi %ne3A_192, %ne3A_187 : i1
          %add3A_194 = arith.addi %rem3A_185, %select_n3A_184 : i32
          %select_n3A_195 = arith.select %and3A_193, %add3A_194, %rem3A_185 : i32
          %dma_start3A_196 = arith.constant 0 : i32
          %dma_start3A_197 = arith.constant 0 : i32
          %dma_start3A_198 = tpu.memref_slice %arg11[%select_n3A_195, %dma_start3A_196, %dma_start3A_197] : memref<2x16x2048xf32, #tpu.memory_space<vmem>> -> memref<1x16x2048xf32, #tpu.memory_space<vmem>>
          %dma_start3A_199 = tpu.memref_squeeze %dma_start3A_198 : memref<1x16x2048xf32, #tpu.memory_space<vmem>> -> memref<16x2048xf32, #tpu.memory_space<vmem>>
          %dma_start3A_200 = tpu.memref_slice %arg7[%mul3A_179] : memref<1024xi32, #tpu.memory_space<vmem>> -> memref<16xi32, #tpu.memory_space<vmem>>
          %dma_start3A_201 = arith.constant 0 : i32
          %dma_start3A_202 = arith.constant 0 : i32
          %dma_start3A_203 = tpu.memref_slice %arg2[%dma_start3A_201, %dma_start3A_202] : memref<2001x2048xf32, #tpu.memory_space<hbm>> -> memref<2001x2048xf32, #tpu.memory_space<hbm>>
          tpu.enqueue_indirect_dma source(%dma_start3A_203 : memref<2001x2048xf32, #tpu.memory_space<hbm>>) target(%dma_start3A_199 : memref<16x2048xf32, #tpu.memory_space<vmem>>) offsets(%dma_start3A_200 : memref<16xi32, #tpu.memory_space<vmem>>) semaphore(%arg12 : memref<!tpu.dma_semaphore, #tpu.memory_space<semaphore_mem>>)
        } else {
        }
        %mul3A_123 = arith.constant 16 : i32
        %mul3A_124 = arith.muli %scan3A_112, %mul3A_123 : i32
        %jit3A = arith.constant 2 : i32
        %eq3A_125 = arith.constant 0 : i32
        %eq3A_126 = arith.cmpi eq, %jit3A, %eq3A_125 : i32
        %jit3A_127 = arith.constant 1 : i32
        %select_n3A = arith.select %eq3A_126, %jit3A_127, %jit3A : i32
        %rem3A = arith.remsi %scan3A_112, %select_n3A : i32
        %ne3A = arith.constant 0 : i32
        %ne3A_128 = arith.cmpi ne, %rem3A, %ne3A : i32
        %lt3A_129 = arith.constant 0 : i32
        %lt3A_130 = arith.cmpi slt, %rem3A, %lt3A_129 : i32
        %lt3A_131 = arith.constant 0 : i32
        %lt3A_132 = arith.cmpi slt, %select_n3A, %lt3A_131 : i32
        %ne3A_133 = arith.xori %lt3A_130, %lt3A_132 : i1
        %and3A_134 = arith.andi %ne3A_133, %ne3A_128 : i1
        %add3A_135 = arith.addi %rem3A, %select_n3A : i32
        %select_n3A_136 = arith.select %and3A_134, %add3A_135, %rem3A : i32
        %dma_wait3A_137 = arith.constant 0 : i32
        %dma_wait3A_138 = arith.constant 0 : i32
        %dma_wait3A_139 = tpu.memref_slice %arg11[%select_n3A_136, %dma_wait3A_137, %dma_wait3A_138] : memref<2x16x2048xf32, #tpu.memory_space<vmem>> -> memref<1x16x2048xf32, #tpu.memory_space<vmem>>
        %dma_wait3A_140 = tpu.memref_squeeze %dma_wait3A_139 : memref<1x16x2048xf32, #tpu.memory_space<vmem>> -> memref<16x2048xf32, #tpu.memory_space<vmem>>
        %dma_wait3A_141 = tpu.memref_slice %arg7[%mul3A_124] : memref<1024xi32, #tpu.memory_space<vmem>> -> memref<16xi32, #tpu.memory_space<vmem>>
        %dma_wait3A_142 = arith.constant 0 : i32
        %dma_wait3A_143 = arith.constant 0 : i32
        %dma_wait3A_144 = tpu.memref_slice %arg2[%dma_wait3A_142, %dma_wait3A_143] : memref<2001x2048xf32, #tpu.memory_space<hbm>> -> memref<2001x2048xf32, #tpu.memory_space<hbm>>
        tpu.wait_indirect_dma semaphore(%arg12 : memref<!tpu.dma_semaphore, #tpu.memory_space<semaphore_mem>>) src(%dma_wait3A_144 : memref<2001x2048xf32, #tpu.memory_space<hbm>>) dst(%dma_wait3A_140 : memref<16x2048xf32, #tpu.memory_space<vmem>>)
        %jit3A_145 = arith.constant 2 : i32
        %eq3A_146 = arith.constant 0 : i32
        %eq3A_147 = arith.cmpi eq, %jit3A_145, %eq3A_146 : i32
        %jit3A_148 = arith.constant 1 : i32
        %select_n3A_149 = arith.select %eq3A_147, %jit3A_148, %jit3A_145 : i32
        %rem3A_150 = arith.remsi %scan3A_112, %select_n3A_149 : i32
        %ne3A_151 = arith.constant 0 : i32
        %ne3A_152 = arith.cmpi ne, %rem3A_150, %ne3A_151 : i32
        %lt3A_153 = arith.constant 0 : i32
        %lt3A_154 = arith.cmpi slt, %rem3A_150, %lt3A_153 : i32
        %lt3A_155 = arith.constant 0 : i32
        %lt3A_156 = arith.cmpi slt, %select_n3A_149, %lt3A_155 : i32
        %ne3A_157 = arith.xori %lt3A_154, %lt3A_156 : i1
        %and3A_158 = arith.andi %ne3A_157, %ne3A_152 : i1
        %add3A_159 = arith.addi %rem3A_150, %select_n3A_149 : i32
        %select_n3A_160 = arith.select %and3A_158, %add3A_159, %rem3A_150 : i32
        %mul3A_161 = arith.constant 16 : i32
        %mul3A_162 = arith.muli %scan3A_112, %mul3A_161 : i32
        %add3A_163 = arith.addi %mul3A_6, %mul3A_162 : i32
        %dma_start3A_164 = arith.constant 0 : i32
        %dma_start3A_165 = arith.constant 0 : i32
        %dma_start3A_166 = tpu.memref_slice %arg11[%select_n3A_160, %dma_start3A_164, %dma_start3A_165] : memref<2x16x2048xf32, #tpu.memory_space<vmem>> -> memref<1x16x2048xf32, #tpu.memory_space<vmem>>
        %dma_start3A_167 = tpu.memref_squeeze %dma_start3A_166 : memref<1x16x2048xf32, #tpu.memory_space<vmem>> -> memref<16x2048xf32, #tpu.memory_space<vmem>>
        %dma_start3A_168 = arith.constant 0 : i32
        %dma_start3A_169 = tpu.memref_slice %arg6[%add3A_163, %dma_start3A_168] : memref<32768x2048xf32, #tpu.memory_space<hbm>> -> memref<16x2048xf32, #tpu.memory_space<hbm>>
        %dma_start3A_170 = arith.constant 0 : i32
        %dma_start3A_171 = tpu.memref_slice %arg6[%add3A_163, %dma_start3A_170] : memref<32768x2048xf32, #tpu.memory_space<hbm>> -> memref<16x2048xf32, #tpu.memory_space<hbm>>
        %dma_start3A_172 = arith.constant 0 : i32
        %dma_start3A_173 = arith.constant 0 : i32
        %dma_start3A_174 = tpu.memref_slice %arg11[%select_n3A_160, %dma_start3A_172, %dma_start3A_173] : memref<2x16x2048xf32, #tpu.memory_space<vmem>> -> memref<1x16x2048xf32, #tpu.memory_space<vmem>>
        %dma_start3A_175 = tpu.memref_squeeze %dma_start3A_174 : memref<1x16x2048xf32, #tpu.memory_space<vmem>> -> memref<16x2048xf32, #tpu.memory_space<vmem>>
        tpu.enqueue_dma source(%dma_start3A_175 : memref<16x2048xf32, #tpu.memory_space<vmem>>) target(%dma_start3A_171 : memref<16x2048xf32, #tpu.memory_space<hbm>>) target_semaphore(%arg13 : memref<!tpu.dma_semaphore, #tpu.memory_space<semaphore_mem>>)
      }
      %scan3A_97 = arith.constant 64 : i32
      %add3A_98 = arith.constant 1008 : i32
      %add3A_99 = arith.addi %mul3A_6, %add3A_98 : i32
      %dma_wait3A = arith.constant 1 : i32
      %dma_wait3A_100 = arith.constant 0 : i32
      %dma_wait3A_101 = arith.constant 0 : i32
      %dma_wait3A_102 = tpu.memref_slice %arg11[%dma_wait3A, %dma_wait3A_100, %dma_wait3A_101] : memref<2x16x2048xf32, #tpu.memory_space<vmem>> -> memref<1x16x2048xf32, #tpu.memory_space<vmem>>
      %dma_wait3A_103 = tpu.memref_squeeze %dma_wait3A_102 : memref<1x16x2048xf32, #tpu.memory_space<vmem>> -> memref<16x2048xf32, #tpu.memory_space<vmem>>
      %dma_wait3A_104 = arith.constant 0 : i32
      %dma_wait3A_105 = tpu.memref_slice %arg6[%add3A_99, %dma_wait3A_104] : memref<32768x2048xf32, #tpu.memory_space<hbm>> -> memref<16x2048xf32, #tpu.memory_space<hbm>>
      %dma_wait3A_106 = arith.constant 0 : i32
      %dma_wait3A_107 = tpu.memref_slice %arg6[%add3A_99, %dma_wait3A_106] : memref<32768x2048xf32, #tpu.memory_space<hbm>> -> memref<16x2048xf32, #tpu.memory_space<hbm>>
      %dma_wait3A_108 = arith.constant 0 : i32
      %dma_wait3A_109 = arith.constant 0 : i32
      %dma_wait3A_110 = tpu.memref_slice %arg11[%dma_wait3A, %dma_wait3A_108, %dma_wait3A_109] : memref<2x16x2048xf32, #tpu.memory_space<vmem>> -> memref<1x16x2048xf32, #tpu.memory_space<vmem>>
      %dma_wait3A_111 = tpu.memref_squeeze %dma_wait3A_110 : memref<1x16x2048xf32, #tpu.memory_space<vmem>> -> memref<16x2048xf32, #tpu.memory_space<vmem>>
      tpu.wait_dma2 semaphore(%arg13 : memref<!tpu.dma_semaphore, #tpu.memory_space<semaphore_mem>>) src(%dma_wait3A_111 : memref<16x2048xf32, #tpu.memory_space<vmem>>) dst(%dma_wait3A_107 : memref<16x2048xf32, #tpu.memory_space<hbm>>)
    } else {
    }
    return
  }
}

</mosaic_0001>

<sc_bundles>
// kernel: _sc_lookup.3.cloned.1.call-start
scs
__scs_entry_jumppad:
0x0: {  	(pc) =	sbr.rel $0x88, $3  }
0x1: {  	(tag) =	ssettag $0x0;
	lr =	simm.s32 $0x1  }
0x2: {  	[smem:$0x3F9F] =	sst lr;
	_ =	strace $0xD0000000  }
0x3: {  	_ = 	snop  }
0x4: {  	_ = 	snop  }
0x5: {  	_ = 	snop  }
0x6: {  	_ = 	snop  }
0x7: {  	_ = 	snop  }
__scs_overlays_trampoline_lowered:
0x8: {  	[smem:$0x3FAE] =	sst s0  }
0x9: {  	[smem:$0x3FAF] =	sst s1  }
0xa: {  	[smem:$0x3FB0] =	sst s2  }
0xb: {  	[smem:$0x3FB1] =	sst s3  }
0xc: {  	[smem:$0x3FB2] =	sst s4  }
0xd: {  	[smem:$0x3FB3] =	sst s5  }
0xe: {  	[smem:$0x3FB4] =	sst s6  }
0xf: {  	[smem:$0x3FB5] =	sst s7  }
0x10: {  	[smem:$0x3FB6] =	sst s8  }
0x11: {  	[smem:$0x3FB7] =	sst s9;
	s0 =	simm.s32 @!p0 $0x0  }
0x12: {  	s1 =	sld [smem:$0x3F9D];
	s0 =	simm.s32 @p0 $0x1  }
0x13: {  	[smem:$0x3FB8] =	sst s0;
	s0 =	simm.s32 @!p1 $0x0  }
0x14: {  	s2 =	sld [smem:$0x3F9C];
	s0 =	simm.s32 @p1 $0x1  }
0x15: {  	[smem:$0x3FB9] =	sst s0;
	s0 =	simm.s32 @!p2 $0x0  }
0x16: {  	s3 =	sld [smem:$0x3FDB];
	s0 =	simm.s32 @p2 $0x1  }
0x17: {  	s4 =	simm.s32 $0x1BF5;
	[smem:$0x3FBB] =	sst s0  }
0x18: {  	s0 =	sld [smem:$0x3F9E];
	_ =	swait.ge [sflag:s4], $0x0  }
0x19: {  	s7 =	sld [smem:$0x3F9F]  }
0x1a: {  	s8 =	sadd.s32 $0xFFFFE003, lr  }
0x1b: {  	s9 =	sadd.s32 $0xFFFFFEF7, lr;
	s5 =	simm.s32 $0xFFFFFFFF;
	p2 =	slt.u32 s8, $0xFFFFF086  }
0x1c: {  	p1 =	slt.u32 s9, $0xF7A;
	s5 =	simm.s32 @!p2 $0x0  }
0x1d: {  	s5 =	simm.s32 @p1 $0x1;
	p0 =	seq.s32 s7, s2  }
0x1e: {  	s7 =	smul.u32 @!p0 $0xF7A, s2;
	p2 =	seq.s32 @!p0 s5, $0x0  }
0x1f: {  	s9 =	smul.u32 $0xF7A, s1;
	s8 =	simm.s32 @!p0 $0x1BF5;
	p2 =	por !p2, p0  }
0x20: {  	[sflag:s8] =	ssyncset.s32 @!p0 $0xFFFFF086;
	s6 =	sadd.s32 @!p0 s3, s7;
	s7 =	simm.s32 @!p0 $0x108  }
0x21: {  	s3 =	sadd.s32 s3, s9;
	s6 =	sadd.s32 @!p0 $0x88, s6;
	s7 =	simm.s32 @p2 $0x1082  }
0x22: {  	[simem:s7], [sflag:s8] =	dma.local @!p0 [hbm:s6], $0xF7A  }
0x23: {  	s9 =	sor.u32 $0xD0000000, s2;
	s6 =	simm.s32 $0x108;
	_ =	swait.ge @!p0 [sflag:s8], $0x0  }
0x24: {  	s3 =	sadd.s32 $0x88, s3;
	s6 =	simm.s32 @!p1 $0x1082;
	[sflag:s4] =	ssyncset.s32 $0xFFFFF086  }
0x25: {  	[simem:s6], [sflag:s4] =	dma.local [hbm:s3], $0xF7A  }
0x26: {  	[smem:$0x3F9F] =	sst s1;
	(tag) =	ssettag s2;
	_ =	strace s9  }
0x27: {  	s1 =	sld [smem:$0x3FAF]  }
0x28: {  	s2 =	sld [smem:$0x3FB0]  }
0x29: {  	s4 =	sld [smem:$0x3FB2]  }
0x2a: {  	p0 =	seq.s32 s5, $0x0;
	s5 =	sld [smem:$0x3FB3]  }
0x2b: {  	s6 =	sld [smem:$0x3FB4]  }
0x2c: {  	s7 =	sld [smem:$0x3FB5]  }
0x2d: {  	s3 =	simm.s32 $0x108;
	s8 =	sld [smem:$0x3FB6]  }
0x2e: {  	s3 =	simm.s32 @!p0 $0x1082;
	s9 =	sld [smem:$0x3FB7]  }
0x2f: {  	lr =	sadd.s32 s0, s3;
	s0 =	sld [smem:$0x3FAE]  }
0x30: {  	s3 =	sld [smem:$0x3FB1]  }
0x31: {  	[smem:$0x3FBA] =	sst s10  }
0x32: {  	s10 =	sld [smem:$0x3FB8];
	_ =	sdelay $0x3  }
0x33: {  	p0 =	seq.s32 s10, $0x1;
	s10 =	sld [smem:$0x3FBA];
	_ =	sdelay $0x3  }
0x34: {  	[smem:$0x3FBA] =	sst s10  }
0x35: {  	s10 =	sld [smem:$0x3FB9];
	_ =	sdelay $0x3  }
0x36: {  	p1 =	seq.s32 s10, $0x1;
	s10 =	sld [smem:$0x3FBA];
	_ =	sdelay $0x3  }
0x37: {  	[smem:$0x3FBA] =	sst s10  }
0x38: {  	s10 =	sld [smem:$0x3FBB]  }
0x39: {  	_ = 	snop;
	(pc) =	sbr.ind lr, $3  }
0x3a: {  	_ = 	snop  }
0x3b: {  	_ = 	snop  }
0x3c: {  	p2 =	seq.s32 s10, $0x1;
	s10 =	sld [smem:$0x3FBA]  }
0x3d: {  	_ =	shalt  }
0x3e: {  	_ =	shalt  }
0x3f: {  	_ =	shalt  }
0x40: {  	_ =	shalt  }
0x41: {  	_ =	shalt  }
0x42: {  	_ =	shalt  }
0x43: {  	_ =	shalt  }
0x44: {  	_ =	shalt  }
0x45: {  	_ =	shalt  }
0x46: {  	_ =	shalt  }
0x47: {  	_ =	shalt  }
0x48: {  	_ =	shalt  }
0x49: {  	_ =	shalt  }
0x4a: {  	_ =	shalt  }
0x4b: {  	_ =	shalt  }
0x4c: {  	_ =	shalt  }
0x4d: {  	_ =	shalt  }
0x4e: {  	_ =	shalt  }
0x4f: {  	_ =	shalt  }
0x50: {  	_ =	shalt  }
0x51: {  	_ =	shalt  }
0x52: {  	_ =	shalt  }
0x53: {  	_ =	shalt  }
0x54: {  	_ =	shalt  }
0x55: {  	_ =	shalt  }
0x56: {  	_ =	shalt  }
0x57: {  	_ =	shalt  }
0x58: {  	_ =	shalt  }
0x59: {  	_ =	shalt  }
0x5a: {  	_ =	shalt  }
0x5b: {  	_ =	shalt  }
0x5c: {  	_ =	shalt  }
0x5d: {  	_ =	shalt  }
0x5e: {  	_ =	shalt  }
0x5f: {  	_ =	shalt  }
0x60: {  	_ =	shalt  }
0x61: {  	_ =	shalt  }
0x62: {  	_ =	shalt  }
0x63: {  	_ =	shalt  }
0x64: {  	_ =	shalt  }
0x65: {  	_ =	shalt  }
0x66: {  	_ =	shalt  }
0x67: {  	_ =	shalt  }
0x68: {  	_ =	shalt  }
0x69: {  	_ =	shalt  }
0x6a: {  	_ =	shalt  }
0x6b: {  	_ =	shalt  }
0x6c: {  	_ =	shalt  }
0x6d: {  	_ =	shalt  }
0x6e: {  	_ =	shalt  }
0x6f: {  	_ =	shalt  }
0x70: {  	_ =	shalt  }
0x71: {  	_ =	shalt  }
0x72: {  	_ =	shalt  }
0x73: {  	_ =	shalt  }
0x74: {  	_ =	shalt  }
0x75: {  	_ =	shalt  }
0x76: {  	_ =	shalt  }
0x77: {  	_ =	shalt  }
0x78: {  	_ =	shalt  }
0x79: {  	_ =	shalt  }
0x7a: {  	_ =	shalt  }
0x7b: {  	_ =	shalt  }
0x7c: {  	_ =	shalt  }
0x7d: {  	_ =	shalt  }
0x7e: {  	_ =	shalt  }
0x7f: {  	_ =	shalt  }
0x80: {  	_ =	shalt  }
0x81: {  	_ =	shalt  }
0x82: {  	_ =	shalt  }
0x83: {  	_ =	shalt  }
0x84: {  	_ =	shalt  }
0x85: {  	_ =	shalt  }
0x86: {  	_ =	shalt  }
0x87: {  	_ =	shalt  }
.Lfunc_end0:
.L_simem_size_0:
called_computation_lowered:
.L_overlay_start_0:
0x88: {  	s2 =	sld [smem:$0x3FD9]  }
0x89: {  	s3 =	sld [smem:$0x3FFE];
	_ =	sdelay $0x1  }
0x8a: {  	s1 =	srdreg.scid  }
0x8b: {  	s0 =	sand.u32 $0x1, s1  }
0x8c: {  	s14 =	sshll.u32 s0, $0xA;
	s2 =	sadd.s32 s3, s2  }
0x8d: {  	s2 =	sadd.s32 s2, s14  }
0x8e: {  	[smem:$0x3FC6] =	sst s2  }
0x8f: {  	_ = 	snop  }
0x90: {  	s2 =	sld [smem:$0x3FD0];
	_ =	sdelay $0x1  }
0x91: {  	s15 =	sld [smem:$0x3FC9]  }
0x92: {  	s5 =	simm.s32 $0xA;
	s6 =	simm.s32 $0x10;
	s4 =	sld [smem:$0x3FC8]  }
0x93: {  	[smem:s6], [sflag:s5] =	dma.local [hbm:s2], $0x1  }
0x94: {  	_ =	swait.eq [sflag:s5], $0x1  }
0x95: {  	[sflag:s5] =	ssyncset.done $0x0  }
0x96: {  	s16 =	sld [smem:$0x11];
	[sflag:s5] =	ssyncadd.s32 $0xFFFFFFFF  }
0x97: {  	s17 =	sld [smem:$0x12];
	(tm) =	ssettm $0x1  }
0x98: {  	s18 =	sld [smem:$0x3FFB];
	_ =	sdelay $0x3  }
0x99: {  	_ =	strace s18  }
0x9a: {  	s6 =	sld [smem:$0x3FFC];
	_ =	sdelay $0x3  }
0x9b: {  	_ =	strace s6  }
0x9c: {  	s6 =	sld [smem:$0x3FFD];
	_ =	sdelay $0x3  }
0x9d: {  	_ =	strace s6  }
0x9e: {  	_ =	strace $0x8FFFFFFF  }
0x9f: {  	s19 =	sld [smem:$0x3FDB];
	_ =	sdelay $0x1  }
0xa0: {  	s7 =	simm.s32 $_scs_section_size  }
0xa1: {  	s8 =	simm.s32 $_size__tile_overlayer_lowered;
	s9 =	simm.s32 $_tile_overlayer_lowered  }
0xa2: {  	s22 =	simm.s32 $0x1BFF;
	s21 =	sshll.u32 s9, $0x1;
	s6 =	sadd.s32 s7, s19  }
0xa3: {  	s10 =	simm.s32 $0x0;
	s20 =	sshll.u32 s8, $0x1;
	s8 =	sadd.s32 s21, s6  }
0xa4: {  	[timem:s10], [sflag:s22] =	dma.local [hbm:s8], s20  }
0xa5: {  	_ =	swait.ge [sflag:s22], s20  }
0xa6: {  	s7 =	ssub.s32 $0x0, s20;
	[sflag:s22] =	ssyncset.done $0x0  }
0xa7: {  	[sflag:s22] =	ssyncadd.s32 s7;
	_ =	sdelay $0x1  }
0xa8: {  	s23 =	simm.s32 $0x1B8B  }
0xa9: {  	_ =	swait.ge [sflag:s23], $0x1  }
0xaa: {  	[sflag:s23] =	ssyncset.done $0x0  }
0xab: {  	s25 =	simm.s32 $0x1B8E;
	s24 =	sld [smem:$0x3FFE];
	[sflag:s23] =	ssyncadd.s32 $0xFFFFFFFF  }
0xac: {  	s26 =	simm.s32 $execute0_lowered;
	[smem:$0x3FD2] =	sst s25  }
0xad: {  	s8 =	sshll.u32 s26, $0x1;
	_ =	strace $0x80000046;
	[dreg:$0x1] =	wrdreg $0xFFFFFFFF  }
0xae: {  	s28 =	simm.s32 $_size_execute0_lowered;
	s6 =	sadd.s32 s6, s8;
	[dreg:$0x0] =	wrdreg $0x0  }
0xaf: {  	s8 =	sshll.u32 s28, $0x1;
	[dreg:$0x2] =	wrdreg s6  }
0xb0: {  	[dreg:$0x3] =	wrdreg s8  }
0xb1: {  	[dreg:$0x4] =	wrdreg $0xC0  }
0xb2: {  	_ =	task [dreg:s10], $0x5FFFF  }
0xb3: {  	[dreg:$0x1] =	wrdreg $0xFFFFFFFF  }
0xb4: {  	[dreg:$0x0] =	wrdreg $0x60  }
0xb5: {  	[dreg:$0x2] =	wrdreg s15  }
0xb6: {  	[dreg:$0x3] =	wrdreg s4  }
0xb7: {  	[dreg:$0x4] =	wrdreg s24  }
0xb8: {  	[dreg:$0x5] =	wrdreg s16  }
0xb9: {  	[dreg:$0x6] =	wrdreg s17  }
0xba: {  	[dreg:$0x7] =	wrdreg $0x9  }
0xbb: {  	_ =	task.clear_ibuf [dreg:s10], $0x8FFFF;
	_ =	strace $0x90000046  }
0xbc: {  	s29 =	simm.s32 $0x9;
	_ =	strace $0x80000048  }
0xbd: {  	_ =	swait.ge [sflag:s29], $0x1  }
0xbe: {  	[sflag:s29] =	ssyncadd.s32 $0xFFFFFFFF  }
0xbf: {  	_ =	strace $0x90000048  }
0xc0: {  	_ =	sfence  }
0xc1: {  	s30 =	sld [smem:$0x0];
	_ =	sdelay $0x2  }
0xc2: {  	s31 =	sshll.u32 s1, $0xD;
	s1 =	sshrl.u32 s1, $0x2  }
0xc3: {  	s3 =	sand.u32 $0x4000, s31;
	s1 =	sadd.s32 s1, s30  }
0xc4: {  	s0 =	sor.u32 s3, s0;
	s1 =	sshll.u32 s1, $0x11  }
0xc5: {  	s0 =	sor.u32 s1, s0  }
0xc6: {  	s0 =	sadd.s32 $0x8F2B, s0  }
0xc7: {  	[sflag:s0] =	ssyncadd.remote.s32 $0x1  }
0xc8: {  	_ =	sfence.sel $0xFFFF  }
0xc9: {  	[dreg:$0x0] =	wrdreg $0xFFFFFFFF;
	(pc) =	sbr.abs _section_cstart, $3  }
0xca: {  	[dreg:$0x1] =	wrdreg $0xFFFFFFFF  }
0xcb: {  	_ =	task.clear_ibuf [dreg:s10], $0x2FFFF;
	_ =	strace $0x9FFFFFFF  }
0xcc: {  	(tm) =	ssettm $0x7FFFFFFF  }
0xcd: {  	_ =	shalt  }
tec
execute0_lowered:
.L_overlay_start_1:
0x0: {  	(tag) =	ssettag $0x1  }
0x1: {  	s1 =	rddreg [dreg:$0x0]  }
0x2: {  	s0 =	rddreg [dreg:$0x1]  }
0x3: {  	s2 =	rddreg [dreg:$0x2]  }
0x4: {  	s15 =	rddreg [dreg:$0x3]  }
0x5: {  	s3 =	rddreg [dreg:$0x4];
	s4 =	simm.s32 $0x0;
	v0 =	vimm.s32 $0xFEDCBA9;
	v1 =	vimm.s32 $0x87654321;
	v2 =	vimm.s32 $0x10FEDCBA  }
0x6: {  	s5 =	srdreg.scid;
	s6 =	stileid.u32;
	v3 =	vimm.s32 $0x98765432;
	v4 =	vimm.s32 $0x3210FEDC;
	v5 =	vimm.s32 $0xBA987654;
	s17 =	simm.s32 $0x3  }
0x7: {  	v6 =	vimm.s32 $0xFEDCBA98;
	s18 =	simm.s32 $0x400;
	s19 =	simm.s32 $0x480;
	s21 =	simm.s32 $0x500  }
0x8: {  	v7 =	vimm.s32 $0x76543210;
	s20 =	simm.s32 $0x6500;
	s22 =	simm.s32 $0x6D00;
	s23 =	simm.s32 $0x7500;
	v0 =	vunpack.c.l.s4.s8 v0;
	v1 =	vunpack.c.l.s4.s8 v1  }
0x9: {  	s24 =	simm.s32 $0x7D00;
	s25 =	simm.s32 $0x8500;
	s26 =	simm.s32 $0x1;
	v2 =	vunpack.c.l.s4.s8 v2;
	v3 =	vunpack.c.l.s4.s8 v3;
	v4 =	vunpack.c.l.s4.s8 v4  }
0xa: {  	s28 =	simm.s32 $0x2;
	s29 =	simm.s32 $0x0;
	[smem:$0x7FF] =	sst s4;
	v5 =	vunpack.c.l.s4.s8 v5;
	v6 =	vunpack.c.l.s4.s8 v6;
	v0 =	vunpack.c.0.s8.s32 v0  }
0xb: {  	s5 =	sand.u32 $0x1, s5;
	s6 =	sshll.u32 s6, $0x1;
	s9 =	sadd.s32 $0x300, s1;
	v1 =	vunpack.c.0.s8.s32 v1;
	v2 =	vunpack.c.0.s8.s32 v2;
	v3 =	vunpack.c.0.s8.s32 v3  }
0xc: {  	s10 =	sadd.s32 $0x400, s1;
	s11 =	sadd.s32 $0x500, s1;
	s12 =	sadd.s32 $0x600, s1;
	v7 =	vunpack.c.l.s4.s8 v7;
	v4 =	vunpack.c.0.s8.s32 v4;
	v5 =	vunpack.c.0.s8.s32 v5  }
0xd: {  	s13 =	sadd.s32 $0x700, s1;
	_ =	strace $0x80000047;
	s14 =	sor.u32 s5, s6;
	v0 =	vcombine.low v1, v0;
	v1 =	vcombine.low v3, v2;
	v2 =	vunpack.c.0.s8.s32 v6  }
.Ltmp0:
0xe: {  	s5 =	ssub.s32 $0x2, s5;
	s6 =	sshll.u32 s14, $0x4;
	v3 =	vcombine.low v5, v4;
	v4 =	vunpack.c.0.s8.s32 v7;
	v7 =	vlaneseq.u32;
	(pc) =	sbr.rel .LBB2_1-.Ltmp0, $4  }
0xf: {  	vm0 =	vmmov $0xffff;
	s7 =	sshrl.u32 s5, $0x1;
	s8 =	sshll.u32 s14, $0x7;
	s31 =	sshll.u32 s14, $0x8;
	v6 =	vshrl.u32 v7, $0x3  }
0x10: {  	s14 =	sshll.u32 s14, $0x15;
	s2 =	sadd.s32 s6, s2;
	s16 =	ssub.s32 s5, s7;
	v0 =	vand.u32 $0xF, v0;
	v1 =	vand.u32 $0xF, v1;
	v5 =	vand.u32 $0xF, v2  }
0x11: {  	s5 =	sadd.s32 s0, s8;
	s7 =	sadd.s32 $0x100, s1;
	s8 =	sadd.s32 $0x200, s1;
	v2 =	vand.u32 $0xF, v3;
	v6 =	vmul.u32 $0x8, v6;
	v3 =	vcombine.low v5, v4  }
0x12: {  	s15 =	sadd.s32 s15, s31;
	s6 =	sadd.s32 $0x800, s2;
	s16 =	smax.u32 s16, $0x1;
	v4 =	vimm.s32 $0x0;
	v5 =	vand.u32 $0x7, v7;
	v7 =	vor.u32 $0x8, v7  }
.LBB2_9:
0x13: {  	_ =	swait.ge [sflag:s28], $0x8000  }
0x14: {  	[sflag:s28] =	ssyncset.done $0x0  }
0x15: {  	[sflag:s28] =	ssyncadd.s32 $0xFFFF8000  }
.LBB2_10:
0x16: {  	s29 =	sadd.s32 $0x1, s29  }
0x17: {  	p0 =	sne.s32 s29, s16  }
.Ltmp1:
0x18: {  	_ = 	snop;
	(pc) =	sbr.rel @!p0 .LBB2_11-.Ltmp1, $1  }
0x19: {  	_ =	sdelay $0x3  }
.LBB2_1:
0x1a: {  	[tilespmem:s4], [sflag:$0x3] =	stream.linear.gather [hbm4b:s5+s4], $0x400, $0x38;
	[tilespmem:$0x10D00] =	vst v63  }
0x1b: {  	_ =	swait.ge [sflag:s17], $0x400  }
0x1c: {  	[sflag:s17] =	ssyncset.done $0x0  }
0x1d: {  	s30 =	simm.s32 $0x0;
	[sflag:s17] =	ssyncadd.s32 $0xFFFFFC00  }
0x1e: {  	v8 =	vld [tilespmem:s30+$0x0];
	_ =	sdelay $0x4  }
0x1f: {  	vm1 =	vgt.s32 v8, $0x0  }
0x20: {  	v9 =	vnsel vm1, $0x0, v8  }
0x21: {  	s0 =	simm.s32 $0x40;
	s31 =	simm.s32 $0x80;
	v8 =	vimm.s32 $0x7D0;
	v10 =	vmin.u32 v9, $0x7D0;
	v9 =	vimm.s32 $0x0  }
.LBB2_2:
0x22: {  	p0 =	sne.s32 s31, $0xFC0;
	[tilespmem:s30+$0x0] =	vst v10;
	s30 =	sshra.s32 s0, $0x2;
	vm1 =	vlt.s32 v8, v10;
	vm2 =	vgt.s32 v9, v10;
	s0 =	smov.u32 s31  }
0x23: {  	v11 =	vld [tilespmem:s30+$0x0];
	v8 =	vsel vm1, v8, v10;
	v9 =	vsel vm2, v9, v10;
	_ =	sdelay $0x2  }
.Ltmp2:
0x24: {  	(pc) =	sbr.rel @p0 .LBB2_2-.Ltmp2, $4  }
0x25: {  	_ = 	snop  }
0x26: {  	vm1 =	vgt.s32 v11, $0x0  }
0x27: {  	v10 =	vnsel vm1, $0x0, v11  }
0x28: {  	s31 =	sadd.s32 $0x40, s31;
	v10 =	vmin.u32 v10, $0x7D0  }
0x29: {  	s0 =	sshra.s32 s0, $0x2;
	[tilespmem:s30+$0x0] =	vst v10  }
0x2a: {  	v11 =	vld [tilespmem:s0+$0x0];
	_ =	sdelay $0x4  }
0x2b: {  	vm1 =	vgt.s32 v11, $0x0  }
0x2c: {  	vm2 =	vlt.s32 v8, v10;
	v11 =	vnsel vm1, $0x0, v11  }
0x2d: {  	v8 =	vsel vm2, v8, v10;
	vm1 =	vgt.s32 v9, v10;
	v11 =	vmin.u32 v11, $0x7D0  }
0x2e: {  	v9 =	vsel vm1, v9, v10;
	vm2 =	vlt.s32 v8, v11  }
0x2f: {  	[tilespmem:s0+$0x0] =	vst v11;
	vm1 =	vgt.s32 v9, v11;
	v8 =	vsel vm2, v8, v11  }
0x30: {  	v9 =	vsel vm1, v9, v11;
	[tilespmem:$0x400] =	vst v8  }
0x31: {  	v56 =	vld.idx.msk [tilespmem:v0+s18+$0x0], $0xffff;
	[tilespmem:$0x400] =	vst v9  }
0x32: {  	v57 =	vld.idx.msk [tilespmem:v0+s18+$0x0], $0xffff;
	_ =	sdelay $0x3  }
0x33: {  	vm1 =	vlt.s32 v8, v56  }
0x34: {  	v8 =	vsel vm1, v8, v56;
	vm1 =	vgt.s32 v9, v57  }
0x35: {  	[tilespmem:$0x400] =	vst v8;
	v9 =	vsel vm1, v9, v57  }
0x36: {  	v58 =	vld.idx.msk [tilespmem:v1+s18+$0x0], $0xffff;
	[tilespmem:$0x400] =	vst v9  }
0x37: {  	v59 =	vld.idx.msk [tilespmem:v1+s18+$0x0], $0xffff;
	_ =	sdelay $0x3  }
0x38: {  	vm1 =	vlt.s32 v8, v58  }
0x39: {  	v8 =	vsel vm1, v8, v58;
	vm1 =	vgt.s32 v9, v59  }
0x3a: {  	[tilespmem:$0x400] =	vst v8;
	v9 =	vsel vm1, v9, v59  }
0x3b: {  	v60 =	vld.idx.msk [tilespmem:v2+s18+$0x0], $0xffff;
	[tilespmem:$0x400] =	vst v9  }
0x3c: {  	v61 =	vld.idx.msk [tilespmem:v2+s18+$0x0], $0xffff;
	_ =	sdelay $0x3  }
0x3d: {  	vm1 =	vlt.s32 v8, v60  }
0x3e: {  	v8 =	vsel vm1, v8, v60;
	vm1 =	vgt.s32 v9, v61  }
0x3f: {  	[tilespmem:$0x400] =	vst v8;
	v9 =	vsel vm1, v9, v61  }
0x40: {  	v62 =	vld.idx.msk [tilespmem:v3+s18+$0x0], $0xffff;
	[tilespmem:$0x400] =	vst v9  }
0x41: {  	v63 =	vld.idx.msk [tilespmem:v3+s18+$0x0], $0xffff;
	_ =	sdelay $0x3  }
0x42: {  	vm1 =	vlt.s32 v8, v62  }
0x43: {  	v8 =	vsel vm1, v8, v62;
	vm1 =	vgt.s32 v9, v63  }
0x44: {  	v9 =	vsel vm1, v9, v63;
	(v2sf) =	vpush v8, $0x0  }
0x45: {  	(v2sf) =	vpush v9, $0x0;
	_ =	sdelay $0xd  }
0x46: {  	s0 =	spop (v2sf)  }
0x47: {  	vm1 =	veq.s32 v8, v9;
	s31 =	spop (v2sf)  }
0x48: {  	v8 =	vsel vm1, $0x1, v4;
	p0 =	sne.s32 s0, s31  }
.Ltmp3:
0x49: {  	[tilespmem:$0x480] =	vst v8;
	(pc) =	sbr.rel @p0 .LBB2_5-.Ltmp3, $4  }
0x4a: {  	[hbm4b:s6+s4] =	stream.linear.scatter [tilespmem:s19], [sflag:$0x3], $0x80, $0x38;
	[tilespmem:$0x10D00] =	vst v63  }
0x4b: {  	_ =	swait.ge [sflag:s17], $0x80  }
0x4c: {  	[sflag:s17] =	ssyncset.done $0x0  }
0x4d: {  	[sflag:s17] =	ssyncadd.s32 $0xFFFFFF80  }
0x4e: {  	s30 =	sshll.u32 s0, $0xB;
	s31 =	sshll.u32 s0, $0x7  }
0x4f: {  	s30 =	sand.u32 $0xFFFFC000, s30;
	s0 =	sand.u32 $0x380, s31  }
0x50: {  	s0 =	sor.u32 s0, s30  }
0x51: {  	s0 =	sshrl.u32 s0, $0x3  }
0x52: {  	s2 =	simm.s32 $0x80;
	s0 =	sadd.s32 s1, s0  }
0x53: {  	[tilespmem:s21], [sflag:$0x3] =	stream.strided.gather [hbm4b:s0+s2], $0x800, s18, s2, $0x38;
	[tilespmem:$0x10D00] =	vst v63  }
0x54: {  	_ =	swait.ge [sflag:s17], $0x800  }
0x55: {  	[sflag:s17] =	ssyncset.done $0x0  }
.Ltmp4:
0x56: {  	[sflag:s17] =	ssyncadd.s32 $0xFFFFF800;
	(pc) =	sbr.rel .LBB2_10-.Ltmp4, $4  }
0x57: {  	[hbm4b:s15+s4] =	stream.linear.scatter [tilespmem:s21], [sflag:$0x3], $0x800, $0x38;
	[tilespmem:$0x10D00] =	vst v63  }
0x58: {  	_ =	swait.ge [sflag:s17], $0x800  }
0x59: {  	[sflag:s17] =	ssyncset.done $0x0  }
0x5a: {  	[sflag:s17] =	ssyncadd.s32 $0xFFFFF800  }
.LBB2_5:
0x5b: {  	v8 =	vld [tilespmem:$0x0];
	_ =	sdelay $0x4  }
0x5c: {  	v9 =	vshll.u32 v8, $0x4  }
0x5d: {  	v8 =	vand.u32 $0x7, v8;
	v9 =	vand.u32 $0xFFFFFF80, v9  }
0x5e: {  	v8 =	vor.u32 v8, v9  }
0x5f: {  	v9 =	vperm.xlane v8, v5;
	_ =	sdelay $0x1  }
0x60: {  	v9 =	vadd.s32 v6, v9;
	_ =	sdelay $0x3  }
0x61: {  	s30 =	simm.s32 $0x0;
	s0 =	simm.s32 $0xD00  }
0x62: {  	[tilespmem:s0], [sflag:$0x1] =	stream.indirect_vreg.gather [hbm4b:s1+s30], $0x80, v9, vm0, $0xb8;
	[tilespmem:$0x10D00] =	vst v63  }
0x63: {  	s2 =	simm.s32 $0x1500  }
0x64: {  	[tilespmem:s2], [sflag:$0x1] =	stream.indirect_vreg.gather [hbm4b:s7+s30], $0x80, v9, vm0, $0xb8;
	[tilespmem:$0x10D00] =	vst v63  }
0x65: {  	s31 =	simm.s32 $0x1D00  }
0x66: {  	[tilespmem:s31], [sflag:$0x1] =	stream.indirect_vreg.gather [hbm4b:s8+s30], $0x80, v9, vm0, $0xb8;
	[tilespmem:$0x10D00] =	vst v63  }
0x67: {  	s2 =	simm.s32 $0x2500  }
0x68: {  	[tilespmem:s2], [sflag:$0x1] =	stream.indirect_vreg.gather [hbm4b:s9+s30], $0x80, v9, vm0, $0xb8;
	[tilespmem:$0x10D00] =	vst v63  }
0x69: {  	s31 =	simm.s32 $0x2D00  }
0x6a: {  	[tilespmem:s31], [sflag:$0x1] =	stream.indirect_vreg.gather [hbm4b:s10+s30], $0x80, v9, vm0, $0xb8;
	[tilespmem:$0x10D00] =	vst v63  }
0x6b: {  	v8 =	vperm.xlane v8, v7;
	s2 =	simm.s32 $0x3500  }
0x6c: {  	[tilespmem:s2], [sflag:$0x1] =	stream.indirect_vreg.gather [hbm4b:s11+s30], $0x80, v9, vm0, $0xb8;
	[tilespmem:$0x10D00] =	vst v63  }
0x6d: {  	v8 =	vadd.s32 v6, v8;
	s31 =	simm.s32 $0x3D00  }
0x6e: {  	[tilespmem:s31], [sflag:$0x1] =	stream.indirect_vreg.gather [hbm4b:s12+s30], $0x80, v9, vm0, $0xb8;
	[tilespmem:$0x10D00] =	vst v63  }
0x6f: {  	s2 =	simm.s32 $0x4500  }
0x70: {  	[tilespmem:s2], [sflag:$0x1] =	stream.indirect_vreg.gather [hbm4b:s13+s30], $0x80, v9, vm0, $0xb8;
	[tilespmem:$0x10D00] =	vst v63  }
0x71: {  	s31 =	simm.s32 $0x4D00  }
0x72: {  	[tilespmem:s31], [sflag:$0x1] =	stream.indirect_vreg.gather [hbm4b:s1+s30], $0x80, v8, vm0, $0xb8;
	[tilespmem:$0x10D00] =	vst v63  }
0x73: {  	s2 =	simm.s32 $0x5500  }
0x74: {  	[tilespmem:s2], [sflag:$0x1] =	stream.indirect_vreg.gather [hbm4b:s7+s30], $0x80, v8, vm0, $0xb8;
	[tilespmem:$0x10D00] =	vst v63  }
0x75: {  	s31 =	simm.s32 $0x5D00  }
0x76: {  	[tilespmem:s31], [sflag:$0x1] =	stream.indirect_vreg.gather [hbm4b:s8+s30], $0x80, v8, vm0, $0xb8;
	[tilespmem:$0x10D00] =	vst v63  }
0x77: {  	_ = 	snop  }
0x78: {  	[tilespmem:s20], [sflag:$0x1] =	stream.indirect_vreg.gather [hbm4b:s9+s30], $0x80, v8, vm0, $0xb8;
	[tilespmem:$0x10D00] =	vst v63  }
0x79: {  	_ = 	snop  }
0x7a: {  	[tilespmem:s22], [sflag:$0x1] =	stream.indirect_vreg.gather [hbm4b:s10+s30], $0x80, v8, vm0, $0xb8;
	[tilespmem:$0x10D00] =	vst v63  }
0x7b: {  	_ = 	snop  }
0x7c: {  	[tilespmem:s23], [sflag:$0x1] =	stream.indirect_vreg.gather [hbm4b:s11+s30], $0x80, v8, vm0, $0xb8;
	[tilespmem:$0x10D00] =	vst v63  }
.Ltmp5:
0x7d: {  	_ = 	snop;
	(pc) =	sbr.rel .LBB2_6-.Ltmp5, $4  }
0x7e: {  	_ = 	snop  }
0x7f: {  	[tilespmem:s24], [sflag:$0x1] =	stream.indirect_vreg.gather [hbm4b:s12+s30], $0x80, v8, vm0, $0xb8;
	[tilespmem:$0x10D00] =	vst v63  }
0x80: {  	_ = 	snop  }
0x81: {  	[tilespmem:s25], [sflag:$0x1] =	stream.indirect_vreg.gather [hbm4b:s13+s30], $0x80, v8, vm0, $0xb8;
	[tilespmem:$0x10D00] =	vst v63  }
.LBB2_8:
0x82: {  	p0 =	slt.u32 s31, $0x40  }
.Ltmp6:
0x83: {  	s0 =	sshll.u32 s30, $0xF;
	(pc) =	sbr.rel @!p0 .LBB2_9-.Ltmp6, $4  }
0x84: {  	_ =	swait.ge [sflag:s26], $0x8000;
	s30 =	smov.u32 s31;
	s2 =	sor.u32 s14, s0  }
0x85: {  	[sflag:s26] =	ssyncset.done $0x0;
	s0 =	sand.u32 $0x8000, s0;
	s2 =	sshrl.u32 s2, $0x3  }
0x86: {  	[sflag:s26] =	ssyncadd.s32 $0xFFFF8000;
	s0 =	sor.u32 $0xD00, s0;
	s2 =	sadd.s32 s3, s2  }
0x87: {  	[hbm4b:s2+s4] =	stream.linear.scatter [tilespmem:s0], [sflag:$0x2], $0x8000, $0x38;
	[tilespmem:$0x10D00] =	vst v63  }
.LBB2_6:
0x88: {  	p0 =	seq.s32 s30, $0x0  }
0x89: {  	p1 =	seq.s32 @!p0 s30, $0x3F  }
0x8a: {  	p1 =	por p0, !p1  }
.Ltmp7:
0x8b: {  	_ = 	snop;
	(pc) =	sbr.rel @!p1 .LBB2_8-.Ltmp7, $4  }
0x8c: {  	s0 =	simm.s32 @!p0 $0x2  }
0x8d: {  	_ =	swait.ge @!p0 [sflag:s0], $0x8000  }
0x8e: {  	[sflag:s0] =	ssyncset.done @!p0 $0x0  }
0x8f: {  	s31 =	simm.s32 @!p0 $0x40;
	[sflag:s0] =	ssyncadd.s32 @!p0 $0xFFFF8000  }
0x90: {  	s31 =	sadd.s32 @!p0 $0x1, s30  }
0x91: {  	s31 =	simm.s32 @p0 $0x1  }
0x92: {  	s0 =	sshll.u32 s31, $0x4  }
0x93: {  	s0 =	sand.u32 $0x3FFFFFF0, s0  }
0x94: {  	v8 =	vld [tilespmem:s0+$0x0];
	_ =	sdelay $0x4  }
0x95: {  	v9 =	vshll.u32 v8, $0x4  }
0x96: {  	v8 =	vand.u32 $0x7, v8;
	v9 =	vand.u32 $0xFFFFFF80, v9  }
0x97: {  	v8 =	vor.u32 v8, v9  }
0x98: {  	v9 =	vperm.xlane v8, v5;
	_ =	sdelay $0x1  }
0x99: {  	v9 =	vadd.s32 v6, v9;
	_ =	sdelay $0x1  }
0x9a: {  	s2 =	sshll.u32 s31, $0xF  }
0x9b: {  	s0 =	sand.u32 $0x8000, s2  }
0x9c: {  	s2 =	sor.u32 $0xD00, s0  }
0x9d: {  	[tilespmem:s2], [sflag:$0x1] =	stream.indirect_vreg.gather [hbm4b:s1+s4], $0x80, v9, vm0, $0xb8;
	[tilespmem:$0x10D00] =	vst v63  }
0x9e: {  	s2 =	sor.u32 $0x1500, s0  }
0x9f: {  	[tilespmem:s2], [sflag:$0x1] =	stream.indirect_vreg.gather [hbm4b:s7+s4], $0x80, v9, vm0, $0xb8;
	[tilespmem:$0x10D00] =	vst v63  }
0xa0: {  	s2 =	sor.u32 $0x1D00, s0  }
0xa1: {  	[tilespmem:s2], [sflag:$0x1] =	stream.indirect_vreg.gather [hbm4b:s8+s4], $0x80, v9, vm0, $0xb8;
	[tilespmem:$0x10D00] =	vst v63  }
0xa2: {  	s2 =	sor.u32 $0x2500, s0  }
0xa3: {  	[tilespmem:s2], [sflag:$0x1] =	stream.indirect_vreg.gather [hbm4b:s9+s4], $0x80, v9, vm0, $0xb8;
	[tilespmem:$0x10D00] =	vst v63  }
0xa4: {  	s2 =	sor.u32 $0x2D00, s0  }
0xa5: {  	[tilespmem:s2], [sflag:$0x1] =	stream.indirect_vreg.gather [hbm4b:s10+s4], $0x80, v9, vm0, $0xb8;
	[tilespmem:$0x10D00] =	vst v63  }
0xa6: {  	v8 =	vperm.xlane v8, v7;
	s2 =	sor.u32 $0x3500, s0  }
0xa7: {  	[tilespmem:s2], [sflag:$0x1] =	stream.indirect_vreg.gather [hbm4b:s11+s4], $0x80, v9, vm0, $0xb8;
	[tilespmem:$0x10D00] =	vst v63  }
0xa8: {  	v8 =	vadd.s32 v6, v8;
	s2 =	sor.u32 $0x3D00, s0  }
0xa9: {  	[tilespmem:s2], [sflag:$0x1] =	stream.indirect_vreg.gather [hbm4b:s12+s4], $0x80, v9, vm0, $0xb8;
	[tilespmem:$0x10D00] =	vst v63  }
0xaa: {  	s2 =	sor.u32 $0x4500, s0  }
0xab: {  	[tilespmem:s2], [sflag:$0x1] =	stream.indirect_vreg.gather [hbm4b:s13+s4], $0x80, v9, vm0, $0xb8;
	[tilespmem:$0x10D00] =	vst v63  }
0xac: {  	s2 =	sor.u32 $0x4D00, s0  }
0xad: {  	[tilespmem:s2], [sflag:$0x1] =	stream.indirect_vreg.gather [hbm4b:s1+s4], $0x80, v8, vm0, $0xb8;
	[tilespmem:$0x10D00] =	vst v63  }
0xae: {  	s2 =	sor.u32 $0x5500, s0  }
0xaf: {  	[tilespmem:s2], [sflag:$0x1] =	stream.indirect_vreg.gather [hbm4b:s7+s4], $0x80, v8, vm0, $0xb8;
	[tilespmem:$0x10D00] =	vst v63  }
0xb0: {  	s2 =	sor.u32 $0x5D00, s0  }
0xb1: {  	[tilespmem:s2], [sflag:$0x1] =	stream.indirect_vreg.gather [hbm4b:s8+s4], $0x80, v8, vm0, $0xb8;
	[tilespmem:$0x10D00] =	vst v63  }
0xb2: {  	s2 =	sor.u32 $0x6500, s0  }
0xb3: {  	[tilespmem:s2], [sflag:$0x1] =	stream.indirect_vreg.gather [hbm4b:s9+s4], $0x80, v8, vm0, $0xb8;
	[tilespmem:$0x10D00] =	vst v63  }
0xb4: {  	s2 =	sor.u32 $0x6D00, s0  }
0xb5: {  	[tilespmem:s2], [sflag:$0x1] =	stream.indirect_vreg.gather [hbm4b:s10+s4], $0x80, v8, vm0, $0xb8;
	[tilespmem:$0x10D00] =	vst v63  }
0xb6: {  	s2 =	sor.u32 $0x7500, s0  }
0xb7: {  	[tilespmem:s2], [sflag:$0x1] =	stream.indirect_vreg.gather [hbm4b:s11+s4], $0x80, v8, vm0, $0xb8;
	[tilespmem:$0x10D00] =	vst v63  }
.Ltmp8:
0xb8: {  	_ = 	snop;
	(pc) =	sbr.rel .LBB2_8-.Ltmp8, $4  }
0xb9: {  	s2 =	sor.u32 $0x7D00, s0  }
0xba: {  	[tilespmem:s2], [sflag:$0x1] =	stream.indirect_vreg.gather [hbm4b:s12+s4], $0x80, v8, vm0, $0xb8;
	[tilespmem:$0x10D00] =	vst v63  }
0xbb: {  	s0 =	sadd.s32 $0x8500, s0  }
0xbc: {  	[tilespmem:s0], [sflag:$0x1] =	stream.indirect_vreg.gather [hbm4b:s13+s4], $0x80, v8, vm0, $0xb8;
	[tilespmem:$0x10D00] =	vst v63  }
.LBB2_11:
0xbd: {  	_ =	sfence.sel $0x180000  }
0xbe: {  	[bflag:$0x0] =	sbarrier.arrive $0xFFFF  }
0xbf: {  	_ =	strace $0x90000047  }
0xc0: {  	s0 =	stileid.u32;
	[bflag:$0x2] =	sbarrier.arrive $0xFFFF  }
0xc1: {  	p0 =	sne.s32 s0, $0x0;
	s0 =	rddreg [dreg:$0x5]  }
0xc2: {  	s0 =	sadd.s32 @!p0 $0x100000, s0  }
0xc3: {  	[sflag:s0] =	ssyncadd.tile.s32 @!p0 $0x1;
	_ =	shalt  }
.Lfunc_end2:
_tile_overlayer_lowered:
.L_overlay_start_2:
0xc4: {  	(tag) =	ssettag $0x2  }
0xc5: {  	s0 =	rddreg [dreg:$0x0];
	s2 =	stileid.u32  }
0xc6: {  	s1 =	rddreg [dreg:$0x1];
	p0 =	sne.s32 s2, $0x0  }
0xc7: {  	s3 =	rddreg [dreg:$0x2];
	[bflag:$0x3] =	sbarrier.arrive $0xFFFF;
	s2 =	simm.s32 @!p0 $0x1C03  }
0xc8: {  	[timem:s3], [sflag:s2] =	dma.local @!p0 [hbm:s0], s1  }
0xc9: {  	s0 =	simm.s32 @!p0 $0x3  }
0xca: {  	_ =	swait.ge @!p0 [sflag:s0], s1  }
0xcb: {  	s1 =	ssub.s32 @!p0 $0x0, s1;
	[sflag:s0] =	ssyncset.done @!p0 $0x0  }
0xcc: {  	[sflag:s0] =	ssyncadd.s32 @!p0 s1  }
0xcd: {  	[bflag:$0x3] =	sbarrier.arrive $0xFFFF  }
0xce: {  	_ =	shalt  }

</sc_bundles>
